<compile_context>
chip_gen: v7x
topology: tpu7x:2x2x1
jax: 0.10.2.dev20260603
libtpu: 0.0.44.dev20260713+nightly
codegen_flags: <defaults>
</compile_context>

<pallas_src>
import functools

import jax
import jax.numpy as jnp
from jax import lax
from jax.experimental import pallas as pl
from jax.experimental.pallas import tpu as pltpu
from jax.experimental.pallas import tpu_sc as plsc

NC, NS = 2, 16
NW = NC * NS
BLK = 256


def _router_body(x_ref, wg_ref, bg_ref, top_ref, slot_ref, be_ref, nbu_ref,
                 xbf_ref):
    xbf_ref[...] = x_ref[...].astype(jnp.bfloat16)
    logits = lax.dot_general(wg_ref[...], x_ref[...], (((1,), (1,)), ((), ())),
                             preferred_element_type=jnp.float32)
    e = logits.shape[0]
    ee_r = lax.broadcasted_iota(jnp.int32, (e, e), 0)
    ee_c = lax.broadcasted_iota(jnp.int32, (e, e), 1)
    bg_col = jnp.sum(jnp.where(ee_r == ee_c, bg_ref[...], 0.0),
                     axis=1, keepdims=True)
    logits = logits + bg_col
    e, t = logits.shape
    nb = t // BLK + e
    maxv = jnp.max(logits, axis=0, keepdims=True)
    ids = lax.broadcasted_iota(jnp.int32, logits.shape, 0)
    picked = jnp.where(logits == maxv, ids, e)
    top = jnp.min(picked, axis=0, keepdims=True)
    top_ref[...] = top

    ohb = ids == top
    ohf = ohb.astype(jnp.bfloat16)
    r_io = lax.broadcasted_iota(jnp.int32, (t, t), 0)
    c_io = lax.broadcasted_iota(jnp.int32, (t, t), 1)
    triu = (r_io <= c_io).astype(jnp.bfloat16)
    csum = lax.dot_general(ohf, triu, (((1,), (0,)), ((), ())),
                           preferred_element_type=jnp.float32)
    rank = jnp.sum(jnp.where(ohb, csum, 0.0), axis=0, keepdims=True) - 1.0
    counts_i = csum[:, t - 1:t].astype(jnp.int32)
    nblk_i = lax.shift_right_logical(counts_i + (BLK - 1), BLK.bit_length() - 1)
    e_r = lax.broadcasted_iota(jnp.int32, (e, e), 0)
    e_c = lax.broadcasted_iota(jnp.int32, (e, e), 1)
    tril_e = (e_r >= e_c).astype(jnp.bfloat16)
    blk_endf = lax.dot_general(tril_e, nblk_i.astype(jnp.bfloat16),
                               (((1,), (0,)), ((), ())),
                               preferred_element_type=jnp.float32)
    blk_end_i = blk_endf.astype(jnp.int32)
    start_tokf = (blk_endf - nblk_i.astype(jnp.float32)) * float(BLK)
    slot_basef = jnp.sum(jnp.where(ohb, start_tokf, 0.0), axis=0, keepdims=True)
    slot_ref[...] = (slot_basef + rank).astype(jnp.int32)
    nbu = blk_end_i[e - 1:e, :]
    nbu_ref[...] = nbu
    b_io = lax.broadcasted_iota(jnp.int32, (e, nb), 1)
    be_raw = jnp.sum((blk_end_i <= b_io).astype(jnp.int32),
                     axis=0, keepdims=True)
    last_e = jnp.sum((blk_end_i <= nbu - 1).astype(jnp.int32),
                     axis=0, keepdims=True)
    be_ref[...] = jnp.where(b_io[0:1, :] < nbu, be_raw, last_e)


def _router(x, Wg, bg):
    t, d = x.shape
    e = Wg.shape[0]
    nb = t // BLK + e
    return pl.pallas_call(
        _router_body,
        out_shape=(
            jax.ShapeDtypeStruct((1, t), jnp.int32),
            jax.ShapeDtypeStruct((1, t), jnp.int32),
            jax.ShapeDtypeStruct((1, nb), jnp.int32),
            jax.ShapeDtypeStruct((1, 1), jnp.int32),
            jax.ShapeDtypeStruct((t, d), jnp.bfloat16),
        ),
    )(x, Wg, bg.reshape(1, -1))


def _ffn_body(be_ref, nblk_ref, slot_ref, xbf_ref, w1_ref, b1_ref, w2_ref,
              b2_ref, out_ref):
    @pl.when(pl.program_id(0) < nblk_ref[0])
    def _():
        t = slot_ref.shape[1]
        rio = (lax.broadcasted_iota(jnp.int32, (BLK, t), 0)
               + pl.program_id(0) * BLK)
        perm = (rio == slot_ref[...]).astype(jnp.bfloat16)
        xb = lax.dot_general(perm, xbf_ref[...], (((1,), (0,)), ((), ())),
                             preferred_element_type=jnp.float32
                             ).astype(jnp.bfloat16)
        e_idx = be_ref[pl.program_id(0)]
        w1 = w1_ref[0].astype(jnp.bfloat16)
        h = lax.dot_general(xb, w1, (((1,), (1,)), ((), ())),
                            preferred_element_type=jnp.float32)
        h = jnp.maximum(h + b1_ref[pl.ds(e_idx, 1), :], 0.0)
        w2 = w2_ref[0].astype(jnp.bfloat16)
        y = lax.dot_general(h.astype(jnp.bfloat16), w2, (((1,), (1,)), ((), ())),
                            preferred_element_type=jnp.float32)
        out_ref[...] = y + b2_ref[pl.ds(e_idx, 1), :]


def _grouped_ffn(block_expert, nblk_used, slot_row, x_bf, W1, b1, W2, b2):
    t, d = x_bf.shape
    e, h = b1.shape
    nb = t // BLK + e
    tp = nb * BLK
    grid_spec = pltpu.PrefetchScalarGridSpec(
        num_scalar_prefetch=2,
        grid=(nb,),
        in_specs=[
            pl.BlockSpec((1, t), lambda i, be, nu: (0, 0)),
            pl.BlockSpec((t, d), lambda i, be, nu: (0, 0)),
            pl.BlockSpec((1, h, d), lambda i, be, nu: (be[i], 0, 0)),
            pl.BlockSpec((e, h), lambda i, be, nu: (0, 0)),
            pl.BlockSpec((1, d, h), lambda i, be, nu: (be[i], 0, 0)),
            pl.BlockSpec((e, d), lambda i, be, nu: (0, 0)),
        ],
        out_specs=pl.BlockSpec(
            (BLK, d), lambda i, be, nu: (jnp.where(i < nu[0], i, nb - 1), 0)),
    )
    return pl.pallas_call(
        _ffn_body,
        grid_spec=grid_spec,
        out_shape=jax.ShapeDtypeStruct((tp, d), jnp.float32),
    )(block_expert, nblk_used, slot_row, x_bf, W1, b1, W2, b2)


def _sc_gather(table, idx):
    n = idx.shape[0]
    d = table.shape[1]
    rows_per_w = n // NW
    mesh = plsc.VectorSubcoreMesh(core_axis_name="c", subcore_axis_name="s")

    @functools.partial(
        pl.kernel,
        mesh=mesh,
        out_type=jax.ShapeDtypeStruct((n, d), jnp.float32),
        scratch_types=[
            pltpu.VMEM((rows_per_w,), jnp.int32),
            pltpu.VMEM((rows_per_w, d), jnp.float32),
            pltpu.SemaphoreType.DMA,
        ],
    )
    def k(table_hbm, idx_hbm, out_hbm, idx_v, rows_v, sem):
        wid = lax.axis_index("s") * NC + lax.axis_index("c")
        base = wid * rows_per_w
        pltpu.sync_copy(idx_hbm.at[pl.ds(base, rows_per_w)], idx_v)
        pltpu.async_copy(table_hbm.at[idx_v], rows_v, sem).wait()
        pltpu.sync_copy(rows_v, out_hbm.at[pl.ds(base, rows_per_w)])

    return k(table, idx)


def kernel(x, Wg, bg, W1, b1, W2, b2):
    t, d = x.shape
    e = Wg.shape[0]
    nb = t // BLK + e
    tp = nb * BLK

    top_row, slot_row, block_expert, nbu, x_bf = _router(x, Wg, bg)

    ys = _grouped_ffn(block_expert.reshape(nb), nbu.reshape(1),
                      slot_row, x_bf, W1, b1, W2, b2)
    out = _sc_gather(ys, slot_row.reshape(t))
    return (out, top_row.reshape(t, 1))

# --- scband reference (transcript-rebuilt; emitter-appended) ---
"""Pipeline reference for scband-mo-elayer-20976620274021 (READ-ONLY COPY).

The authoritative reference and input builder live on the scoring server;
editing this copy changes nothing except your own understanding.
"""

import jax, jax.numpy as jnp
import numpy as np

E = 16
D = 768
H = 1024
K = 1
T = 2048


def setup_inputs(seed: int = 0) -> dict:
    key = jax.random.key(seed)
    ks = jax.random.split(key, 5)
    x = jax.random.normal(ks[0], (T, D), dtype=jnp.float32)
    Wg = jax.random.normal(ks[1], (E, D), dtype=jnp.float32) * (1.0 / np.sqrt(D))
    bg = jnp.zeros((E,), dtype=jnp.float32)
    W1 = jax.random.normal(ks[2], (E, H, D), dtype=jnp.float32) * (1.0 / np.sqrt(D))
    b1 = jnp.zeros((E, H), dtype=jnp.float32)
    W2 = jax.random.normal(ks[3], (E, D, H), dtype=jnp.float32) * (1.0 / np.sqrt(H))
    b2 = jnp.zeros((E, D), dtype=jnp.float32)
    return {"x": x, "Wg": Wg, "bg": bg, "W1": W1, "b1": b1, "W2": W2, "b2": b2}


def reference(x, Wg, bg, W1, b1, W2, b2):
    # Gate: linear -> top-k -> scatter into -inf -> softmax (exact zeros off top-k)
    logits = x @ Wg.T + bg
    top_v, top_i = jax.lax.top_k(logits, K)
    sparse = jnp.full_like(logits, -jnp.inf)
    rows = jnp.arange(x.shape[0])[:, None]
    sparse = sparse.at[rows, top_i].set(top_v)
    gate = jax.nn.softmax(sparse, axis=-1)  # [T, E], exactly 0 for non-selected experts
    # Experts: PositionwiseFeedForward per expert (dropout = identity in eval).
    # Since gate weight is exactly 0.0 for non-selected experts, the dense
    # weighted sum below is mathematically identical to the torch masked loop.
    h = jax.nn.relu(jnp.einsum('td,ehd->teh', x, W1) + b1[None, :, :])  # [T, E, H]
    y = jnp.einsum('teh,edh->ted', h, W2) + b2[None, :, :]              # [T, E, D]
    out = jnp.einsum('ted,te->td', y, gate)                              # [T, D]
    return (out, top_i)

if __name__ == "__main__":
    import jax
    _d = setup_inputs()
    print(jax.jit(kernel)(*tuple(_d.values())))

</pallas_src>

<mosaic_0001>
#map = affine_map<(d0, d1) -> (0, 0)>
#map1 = affine_map<(d0, d1) -> (0)>
module attributes {stable_mosaic.version = 14 : i64} {
  func.func @k(%arg0: i32, %arg1: i32, %arg2: memref<6144x768xf32, #tpu.memory_space<hbm>>, %arg3: memref<2048xi32, #tpu.memory_space<hbm>>, %arg4: memref<2048x768xf32, #tpu.memory_space<hbm>>, %arg5: memref<64xi32, #tpu.memory_space<vmem>>, %arg6: memref<64x768xf32, #tpu.memory_space<vmem>>, %arg7: memref<!tpu.dma_semaphore, #tpu.memory_space<semaphore_mem>>) attributes {dimension_semantics = [#tpu.dimension_semantics<core_parallel>, #tpu.dimension_semantics<subcore_parallel>], iteration_bounds = array<i64: 2, 16>, scalar_prefetch = 0 : i64, scratch_operands = 3 : i64, tpu.core_type = #tpu.core_type<sc_vector_subcore>, window_params = [{transform_indices = #map}, {transform_indices = #map1}, {transform_indices = #map}]} {
    %mul3A = arith.constant 2 : i32
    %mul3A_0 = arith.muli %arg1, %mul3A : i32
    %add3A = arith.addi %mul3A_0, %arg0 : i32
    %mul3A_1 = arith.constant 64 : i32
    %mul3A_2 = arith.muli %add3A, %mul3A_1 : i32
    "tpu.region"() ({
      %run_scoped3A = tpu.sem_alloc : memref<!tpu.dma_semaphore, #tpu.memory_space<semaphore_mem>>
      %dma_start3A_7 = tpu.memref_slice %arg3[%mul3A_2] : memref<2048xi32, #tpu.memory_space<hbm>> -> memref<64xi32, #tpu.memory_space<hbm>>
      %dma_start3A_8 = tpu.memref_slice %arg3[%mul3A_2] : memref<2048xi32, #tpu.memory_space<hbm>> -> memref<64xi32, #tpu.memory_space<hbm>>
      tpu.enqueue_dma source(%dma_start3A_8 : memref<64xi32, #tpu.memory_space<hbm>>) target(%arg5 : memref<64xi32, #tpu.memory_space<vmem>>) target_semaphore(%run_scoped3A : memref<!tpu.dma_semaphore, #tpu.memory_space<semaphore_mem>>)
      %dma_wait3A_9 = tpu.memref_slice %arg3[%mul3A_2] : memref<2048xi32, #tpu.memory_space<hbm>> -> memref<64xi32, #tpu.memory_space<hbm>>
      %dma_wait3A_10 = tpu.memref_slice %arg3[%mul3A_2] : memref<2048xi32, #tpu.memory_space<hbm>> -> memref<64xi32, #tpu.memory_space<hbm>>
      tpu.wait_dma2 semaphore(%run_scoped3A : memref<!tpu.dma_semaphore, #tpu.memory_space<semaphore_mem>>) src(%dma_wait3A_10 : memref<64xi32, #tpu.memory_space<hbm>>) dst(%arg5 : memref<64xi32, #tpu.memory_space<vmem>>)
      tpu.yield
    }) : () -> ()
    %dma_start3A = arith.constant 0 : i32
    %dma_start3A_3 = arith.constant 0 : i32
    %dma_start3A_4 = tpu.memref_slice %arg2[%dma_start3A, %dma_start3A_3] : memref<6144x768xf32, #tpu.memory_space<hbm>> -> memref<6144x768xf32, #tpu.memory_space<hbm>>
    tpu.enqueue_indirect_dma source(%dma_start3A_4 : memref<6144x768xf32, #tpu.memory_space<hbm>>) target(%arg6 : memref<64x768xf32, #tpu.memory_space<vmem>>) offsets(%arg5 : memref<64xi32, #tpu.memory_space<vmem>>) semaphore(%arg7 : memref<!tpu.dma_semaphore, #tpu.memory_space<semaphore_mem>>)
    %dma_wait3A = arith.constant 0 : i32
    %dma_wait3A_5 = arith.constant 0 : i32
    %dma_wait3A_6 = tpu.memref_slice %arg2[%dma_wait3A, %dma_wait3A_5] : memref<6144x768xf32, #tpu.memory_space<hbm>> -> memref<6144x768xf32, #tpu.memory_space<hbm>>
    tpu.wait_indirect_dma semaphore(%arg7 : memref<!tpu.dma_semaphore, #tpu.memory_space<semaphore_mem>>) src(%dma_wait3A_6 : memref<6144x768xf32, #tpu.memory_space<hbm>>) dst(%arg6 : memref<64x768xf32, #tpu.memory_space<vmem>>)
    "tpu.region"() ({
      %run_scoped3A = tpu.sem_alloc : memref<!tpu.dma_semaphore, #tpu.memory_space<semaphore_mem>>
      %dma_start3A_7 = arith.constant 0 : i32
      %dma_start3A_8 = tpu.memref_slice %arg4[%mul3A_2, %dma_start3A_7] : memref<2048x768xf32, #tpu.memory_space<hbm>> -> memref<64x768xf32, #tpu.memory_space<hbm>>
      %dma_start3A_9 = arith.constant 0 : i32
      %dma_start3A_10 = tpu.memref_slice %arg4[%mul3A_2, %dma_start3A_9] : memref<2048x768xf32, #tpu.memory_space<hbm>> -> memref<64x768xf32, #tpu.memory_space<hbm>>
      tpu.enqueue_dma source(%arg6 : memref<64x768xf32, #tpu.memory_space<vmem>>) target(%dma_start3A_10 : memref<64x768xf32, #tpu.memory_space<hbm>>) target_semaphore(%run_scoped3A : memref<!tpu.dma_semaphore, #tpu.memory_space<semaphore_mem>>)
      %dma_wait3A_11 = arith.constant 0 : i32
      %dma_wait3A_12 = tpu.memref_slice %arg4[%mul3A_2, %dma_wait3A_11] : memref<2048x768xf32, #tpu.memory_space<hbm>> -> memref<64x768xf32, #tpu.memory_space<hbm>>
      %dma_wait3A_13 = arith.constant 0 : i32
      %dma_wait3A_14 = tpu.memref_slice %arg4[%mul3A_2, %dma_wait3A_13] : memref<2048x768xf32, #tpu.memory_space<hbm>> -> memref<64x768xf32, #tpu.memory_space<hbm>>
      tpu.wait_dma2 semaphore(%run_scoped3A : memref<!tpu.dma_semaphore, #tpu.memory_space<semaphore_mem>>) src(%arg6 : memref<64x768xf32, #tpu.memory_space<vmem>>) dst(%dma_wait3A_14 : memref<64x768xf32, #tpu.memory_space<hbm>>)
      tpu.yield
    }) : () -> ()
    return
  }
}

module attributes {stable_mosaic.version = 14 : i64} {
  func.func @_ffn_body(%arg0: i32, %arg1: memref<24xi32, #tpu.memory_space<smem>>, %arg2: memref<1xi32, #tpu.memory_space<smem>>, %arg3: memref<1x2048xi32, #tpu.memory_space<vmem>>, %arg4: memref<2048x768xbf16, #tpu.memory_space<vmem>>, %arg5: memref<1x1024x768xf32, #tpu.memory_space<vmem>>, %arg6: memref<16x1024xf32, #tpu.memory_space<vmem>>, %arg7: memref<1x768x1024xf32, #tpu.memory_space<vmem>>, %arg8: memref<16x768xf32, #tpu.memory_space<vmem>>, %arg9: memref<256x768xf32, #tpu.memory_space<vmem>>) attributes {dimension_semantics = [#tpu.dimension_semantics<arbitrary>], iteration_bounds = array<i64: 24>, scalar_prefetch = 2 : i64, scratch_operands = 0 : i64, tpu.core_type = #tpu.core_type<tc>, window_params = [{pipeline_mode = #tpu.pipeline_mode<synchronous>, transform_indices = @transform_0, window_bounds = array<i64: 1, 2048>}, {pipeline_mode = #tpu.pipeline_mode<synchronous>, transform_indices = @transform_1, window_bounds = array<i64: 2048, 768>}, {transform_indices = @transform_2, window_bounds = array<i64: 1, 1024, 768>}, {pipeline_mode = #tpu.pipeline_mode<synchronous>, transform_indices = @transform_3, window_bounds = array<i64: 16, 1024>}, {transform_indices = @transform_4, window_bounds = array<i64: 1, 768, 1024>}, {pipeline_mode = #tpu.pipeline_mode<synchronous>, transform_indices = @transform_5, window_bounds = array<i64: 16, 768>}, {transform_indices = @transform_6, window_bounds = array<i64: 256, 768>}]} {
    %get3A = arith.constant 0 : index
    %get3A_0 = memref.load %arg2[%get3A] : memref<1xi32, #tpu.memory_space<smem>>
    %lt3A = arith.cmpi slt, %arg0, %get3A_0 : i32
    %convert_element_type3A = arith.extui %lt3A : i1 to i32
    %cond3A = arith.constant 0 : i32
    %cond3A_1 = arith.cmpi ne, %convert_element_type3A, %cond3A : i32
    scf.if %cond3A_1 {
      %iota3A = tpu.iota {dimensions = array<i32: 0>} : vector<256x2048xi32>
      %mul3A = arith.constant 256 : i32
      %mul3A_2 = arith.muli %arg0, %mul3A : i32
      %add3A = vector.broadcast %mul3A_2 : i32 to vector<256x2048xi32>
      %add3A_3 = arith.addi %iota3A, %add3A : vector<256x2048xi32>
      %get3A_4 = arith.constant 0 : index
      %get3A_5 = arith.constant 0 : index
      %get3A_6 = vector.load %arg3[%get3A_4, %get3A_5] : memref<1x2048xi32, #tpu.memory_space<vmem>>, vector<1x2048xi32>
      %eq3A = vector.broadcast %get3A_6 : vector<1x2048xi32> to vector<256x2048xi32>
      %eq3A_7 = arith.cmpi eq, %add3A_3, %eq3A : vector<256x2048xi32>
      %convert_element_type3A_8 = arith.extui %eq3A_7 : vector<256x2048xi1> to vector<256x2048xi32>
      %convert_element_type3A_9 = arith.sitofp %convert_element_type3A_8 : vector<256x2048xi32> to vector<256x2048xf32>
      %convert_element_type3A_10 = arith.truncf %convert_element_type3A_9 : vector<256x2048xf32> to vector<256x2048xbf16>
      %get3A_11 = arith.constant 0 : index
      %get3A_12 = arith.constant 0 : index
      %get3A_13 = vector.load %arg4[%get3A_11, %get3A_12] : memref<2048x768xbf16, #tpu.memory_space<vmem>>, vector<2048x768xbf16>
      %dot_general3A = arith.constant dense<0.000000e+00> : vector<256x768xf32>
      %dot_general3A_14 = tpu.matmul %convert_element_type3A_10, %get3A_13, %dot_general3A {dimension_numbers = #tpu.dot_dimension_numbers<[1], [0], [0], [1], [0, 0, 1, 1], [], []>, transpose_lhs_hint = false} : vector<256x2048xbf16>, vector<2048x768xbf16>, vector<256x768xf32> -> vector<256x768xf32>
      %convert_element_type3A_15 = arith.truncf %dot_general3A_14 : vector<256x768xf32> to vector<256x768xbf16>
      %get3A_16 = arith.index_cast %arg0 : i32 to index
      %get3A_17 = memref.load %arg1[%get3A_16] : memref<24xi32, #tpu.memory_space<smem>>
      %get3A_18 = arith.constant 0 : index
      %get3A_19 = arith.constant 0 : index
      %get3A_20 = arith.constant 0 : index
      %get3A_21 = vector.load %arg5[%get3A_18, %get3A_19, %get3A_20] : memref<1x1024x768xf32, #tpu.memory_space<vmem>>, vector<1x1024x768xf32>
      %get3A_22 = vector.shape_cast %get3A_21 : vector<1x1024x768xf32> to vector<1024x768xf32>
      %convert_element_type3A_23 = arith.truncf %get3A_22 : vector<1024x768xf32> to vector<1024x768xbf16>
      %dot_general3A_24 = arith.constant dense<0.000000e+00> : vector<256x1024xf32>
      %dot_general3A_25 = tpu.matmul %convert_element_type3A_15, %convert_element_type3A_23, %dot_general3A_24 {dimension_numbers = #tpu.dot_dimension_numbers<[1], [1], [0], [0], [0, 0, 1, 0], [], []>, transpose_lhs_hint = false} : vector<256x768xbf16>, vector<1024x768xbf16>, vector<256x1024xf32> -> vector<256x1024xf32>
      %get3A_26 = arith.index_cast %get3A_17 : i32 to index
      %get3A_27 = arith.constant 0 : index
      %get3A_28 = vector.load %arg6[%get3A_26, %get3A_27] : memref<16x1024xf32, #tpu.memory_space<vmem>>, vector<1x1024xf32>
      %add3A_29 = vector.broadcast %get3A_28 : vector<1x1024xf32> to vector<256x1024xf32>
      %add3A_30 = arith.addf %dot_general3A_25, %add3A_29 : vector<256x1024xf32>
      %max3A = arith.constant 0.000000e+00 : f32
      %max3A_31 = vector.broadcast %max3A : f32 to vector<256x1024xf32>
      %max3A_32 = arith.maximumf %add3A_30, %max3A_31 : vector<256x1024xf32>
      %get3A_33 = arith.constant 0 : index
      %get3A_34 = arith.constant 0 : index
      %get3A_35 = arith.constant 0 : index
      %get3A_36 = vector.load %arg7[%get3A_33, %get3A_34, %get3A_35] : memref<1x768x1024xf32, #tpu.memory_space<vmem>>, vector<1x768x1024xf32>
      %get3A_37 = vector.shape_cast %get3A_36 : vector<1x768x1024xf32> to vector<768x1024xf32>
      %convert_element_type3A_38 = arith.truncf %get3A_37 : vector<768x1024xf32> to vector<768x1024xbf16>
      %convert_element_type3A_39 = arith.truncf %max3A_32 : vector<256x1024xf32> to vector<256x1024xbf16>
      %dot_general3A_40 = arith.constant dense<0.000000e+00> : vector<256x768xf32>
      %dot_general3A_41 = tpu.matmul %convert_element_type3A_39, %convert_element_type3A_38, %dot_general3A_40 {dimension_numbers = #tpu.dot_dimension_numbers<[1], [1], [0], [0], [0, 0, 1, 0], [], []>, transpose_lhs_hint = false} : vector<256x1024xbf16>, vector<768x1024xbf16>, vector<256x768xf32> -> vector<256x768xf32>
      %get3A_42 = arith.index_cast %get3A_17 : i32 to index
      %get3A_43 = arith.constant 0 : index
      %get3A_44 = vector.load %arg8[%get3A_42, %get3A_43] : memref<16x768xf32, #tpu.memory_space<vmem>>, vector<1x768xf32>
      %add3A_45 = vector.broadcast %get3A_44 : vector<1x768xf32> to vector<256x768xf32>
      %add3A_46 = arith.addf %dot_general3A_41, %add3A_45 : vector<256x768xf32>
      %swap3A = arith.constant 0 : index
      %swap3A_47 = arith.constant 0 : index
      %swap3A_48 = vector.load %arg9[%swap3A, %swap3A_47] : memref<256x768xf32, #tpu.memory_space<vmem>>, vector<256x768xf32>
      tpu.vector_store %arg9[%swap3A, %swap3A_47], %add3A_46 {strides = array<i32>} : memref<256x768xf32, #tpu.memory_space<vmem>>, vector<256x768xf32>,
    } else {
    }
    return
  }
  func.func @transform_0(%arg0: i32, %arg1: memref<24xi32, #tpu.memory_space<smem>>, %arg2: memref<1xi32, #tpu.memory_space<smem>>) -> (i32, i32) {
    %c0_i32 = arith.constant 0 : i32
    %c0_i32_0 = arith.constant 0 : i32
    %c0_i32_1 = arith.constant 0 : i32
    return %c0_i32, %c0_i32_0 : i32, i32
  }
  func.func @transform_1(%arg0: i32, %arg1: memref<24xi32, #tpu.memory_space<smem>>, %arg2: memref<1xi32, #tpu.memory_space<smem>>) -> (i32, i32) {
    %c0_i32 = arith.constant 0 : i32
    %c0_i32_0 = arith.constant 0 : i32
    %c0_i32_1 = arith.constant 0 : i32
    return %c0_i32, %c0_i32_0 : i32, i32
  }
  func.func @transform_2(%arg0: i32, %arg1: memref<24xi32, #tpu.memory_space<smem>>, %arg2: memref<1xi32, #tpu.memory_space<smem>>) -> (i32, i32, i32) {
    %get3A = arith.index_cast %arg0 : i32 to index
    %get3A_0 = memref.load %arg1[%get3A] : memref<24xi32, #tpu.memory_space<smem>>
    %c0_i32 = arith.constant 0 : i32
    %c0_i32_1 = arith.constant 0 : i32
    %c0_i32_2 = arith.constant 0 : i32
    return %get3A_0, %c0_i32, %c0_i32_1 : i32, i32, i32
  }
  func.func @transform_3(%arg0: i32, %arg1: memref<24xi32, #tpu.memory_space<smem>>, %arg2: memref<1xi32, #tpu.memory_space<smem>>) -> (i32, i32) {
    %c0_i32 = arith.constant 0 : i32
    %c0_i32_0 = arith.constant 0 : i32
    %c0_i32_1 = arith.constant 0 : i32
    return %c0_i32, %c0_i32_0 : i32, i32
  }
  func.func @transform_4(%arg0: i32, %arg1: memref<24xi32, #tpu.memory_space<smem>>, %arg2: memref<1xi32, #tpu.memory_space<smem>>) -> (i32, i32, i32) {
    %get3A = arith.index_cast %arg0 : i32 to index
    %get3A_0 = memref.load %arg1[%get3A] : memref<24xi32, #tpu.memory_space<smem>>
    %c0_i32 = arith.constant 0 : i32
    %c0_i32_1 = arith.constant 0 : i32
    %c0_i32_2 = arith.constant 0 : i32
    return %get3A_0, %c0_i32, %c0_i32_1 : i32, i32, i32
  }
  func.func @transform_5(%arg0: i32, %arg1: memref<24xi32, #tpu.memory_space<smem>>, %arg2: memref<1xi32, #tpu.memory_space<smem>>) -> (i32, i32) {
    %c0_i32 = arith.constant 0 : i32
    %c0_i32_0 = arith.constant 0 : i32
    %c0_i32_1 = arith.constant 0 : i32
    return %c0_i32, %c0_i32_0 : i32, i32
  }
  func.func @transform_6(%arg0: i32, %arg1: memref<24xi32, #tpu.memory_space<smem>>, %arg2: memref<1xi32, #tpu.memory_space<smem>>) -> (i32, i32) {
    %get3A = arith.constant 0 : index
    %get3A_0 = memref.load %arg2[%get3A] : memref<1xi32, #tpu.memory_space<smem>>
    %lt3A = arith.cmpi slt, %arg0, %get3A_0 : i32
    %jit3A = arith.constant 23 : i32
    %select_n3A = arith.select %lt3A, %arg0, %jit3A : i32
    %c0_i32 = arith.constant 0 : i32
    %c0_i32_1 = arith.constant 0 : i32
    return %select_n3A, %c0_i32 : i32, i32
  }
}

module attributes {stable_mosaic.version = 14 : i64} {
  func.func @_router_body(%arg0: memref<2048x768xf32, #tpu.memory_space<vmem>>, %arg1: memref<16x768xf32, #tpu.memory_space<vmem>>, %arg2: memref<1x16xf32, #tpu.memory_space<vmem>>, %arg3: memref<1x2048xi32, #tpu.memory_space<vmem>>, %arg4: memref<1x2048xi32, #tpu.memory_space<vmem>>, %arg5: memref<1x24xi32, #tpu.memory_space<vmem>>, %arg6: memref<1x1xi32, #tpu.memory_space<vmem>>, %arg7: memref<2048x768xbf16, #tpu.memory_space<vmem>>) attributes {dimension_semantics = [], scalar_prefetch = 0 : i64, scratch_operands = 0 : i64, tpu.core_type = #tpu.core_type<tc>} {
    %get3A = arith.constant 0 : index
    %get3A_0 = arith.constant 0 : index
    %get3A_1 = vector.load %arg0[%get3A, %get3A_0] : memref<2048x768xf32, #tpu.memory_space<vmem>>, vector<2048x768xf32>
    %convert_element_type3A = arith.truncf %get3A_1 : vector<2048x768xf32> to vector<2048x768xbf16>
    %swap3A = arith.constant 0 : index
    %swap3A_2 = arith.constant 0 : index
    %swap3A_3 = vector.load %arg7[%swap3A, %swap3A_2] : memref<2048x768xbf16, #tpu.memory_space<vmem>>, vector<2048x768xbf16>
    tpu.vector_store %arg7[%swap3A, %swap3A_2], %convert_element_type3A {strides = array<i32>} : memref<2048x768xbf16, #tpu.memory_space<vmem>>, vector<2048x768xbf16>,
    %get3A_4 = arith.constant 0 : index
    %get3A_5 = arith.constant 0 : index
    %get3A_6 = vector.load %arg1[%get3A_4, %get3A_5] : memref<16x768xf32, #tpu.memory_space<vmem>>, vector<16x768xf32>
    %get3A_7 = arith.constant 0 : index
    %get3A_8 = arith.constant 0 : index
    %get3A_9 = vector.load %arg0[%get3A_7, %get3A_8] : memref<2048x768xf32, #tpu.memory_space<vmem>>, vector<2048x768xf32>
    %dot_general3A = arith.constant dense<0.000000e+00> : vector<16x2048xf32>
    %dot_general3A_10 = tpu.matmul %get3A_6, %get3A_9, %dot_general3A {dimension_numbers = #tpu.dot_dimension_numbers<[1], [1], [0], [0], [0, 0, 1, 0], [], []>, transpose_lhs_hint = false} : vector<16x768xf32>, vector<2048x768xf32>, vector<16x2048xf32> -> vector<16x2048xf32>
    %iota3A = tpu.iota {dimensions = array<i32: 0>} : vector<16x16xi32>
    %iota3A_11 = tpu.iota {dimensions = array<i32: 1>} : vector<16x16xi32>
    %eq3A = arith.cmpi eq, %iota3A, %iota3A_11 : vector<16x16xi32>
    %get3A_12 = arith.constant 0 : index
    %get3A_13 = arith.constant 0 : index
    %get3A_14 = vector.load %arg2[%get3A_12, %get3A_13] : memref<1x16xf32, #tpu.memory_space<vmem>>, vector<1x16xf32>
    %jit3A = arith.constant 0.000000e+00 : f32
    %broadcast_in_dim3A = vector.shape_cast %get3A_14 : vector<1x16xf32> to vector<1x16xf32>
    %broadcast_in_dim3A_15 = vector.broadcast %broadcast_in_dim3A : vector<1x16xf32> to vector<16x16xf32>
    %broadcast_in_dim3A_16 = vector.broadcast %jit3A : f32 to vector<16x16xf32>
    %select_n3A = arith.select %eq3A, %broadcast_in_dim3A_15, %broadcast_in_dim3A_16 : vector<16x16xi1>, vector<16x16xf32>
    %reduce_sum3A = arith.constant dense<0.000000e+00> : vector<16xf32>
    %reduce_sum3A_17 = vector.multi_reduction <add>, %select_n3A, %reduce_sum3A [1] : vector<16x16xf32> to vector<16xf32>
    %broadcast_in_dim3A_18 = vector.shape_cast %reduce_sum3A_17 : vector<16xf32> to vector<16x1xf32>
    %add3A = vector.broadcast %broadcast_in_dim3A_18 : vector<16x1xf32> to vector<16x2048xf32>
    %add3A_19 = arith.addf %dot_general3A_10, %add3A : vector<16x2048xf32>
    %reduce_max3A = arith.constant dense<0xFF800000> : vector<2048xf32>
    %reduce_max3A_20 = vector.multi_reduction <maximumf>, %add3A_19, %reduce_max3A [0] : vector<16x2048xf32> to vector<2048xf32>
    %broadcast_in_dim3A_21 = vector.shape_cast %reduce_max3A_20 : vector<2048xf32> to vector<1x2048xf32>
    %iota3A_22 = tpu.iota {dimensions = array<i32: 0>} : vector<16x2048xi32>
    %eq3A_23 = vector.broadcast %broadcast_in_dim3A_21 : vector<1x2048xf32> to vector<16x2048xf32>
    %eq3A_24 = arith.cmpf oeq, %add3A_19, %eq3A_23 : vector<16x2048xf32>
    %jit3A_25 = arith.constant 16 : i32
    %broadcast_in_dim3A_26 = vector.broadcast %jit3A_25 : i32 to vector<16x2048xi32>
    %select_n3A_27 = arith.select %eq3A_24, %iota3A_22, %broadcast_in_dim3A_26 : vector<16x2048xi1>, vector<16x2048xi32>
    %reduce_min3A = arith.constant dense<2147483647> : vector<2048xi32>
    %reduce_min3A_28 = vector.multi_reduction <minsi>, %select_n3A_27, %reduce_min3A [0] : vector<16x2048xi32> to vector<2048xi32>
    %broadcast_in_dim3A_29 = vector.shape_cast %reduce_min3A_28 : vector<2048xi32> to vector<1x2048xi32>
    %swap3A_30 = arith.constant 0 : index
    %swap3A_31 = arith.constant 0 : index
    %swap3A_32 = vector.load %arg3[%swap3A_30, %swap3A_31] : memref<1x2048xi32, #tpu.memory_space<vmem>>, vector<1x2048xi32>
    tpu.vector_store %arg3[%swap3A_30, %swap3A_31], %broadcast_in_dim3A_29 {strides = array<i32>} : memref<1x2048xi32, #tpu.memory_space<vmem>>, vector<1x2048xi32>,
    %eq3A_33 = vector.broadcast %broadcast_in_dim3A_29 : vector<1x2048xi32> to vector<16x2048xi32>
    %eq3A_34 = arith.cmpi eq, %iota3A_22, %eq3A_33 : vector<16x2048xi32>
    %convert_element_type3A_35 = arith.extui %eq3A_34 : vector<16x2048xi1> to vector<16x2048xi32>
    %convert_element_type3A_36 = arith.sitofp %convert_element_type3A_35 : vector<16x2048xi32> to vector<16x2048xf32>
    %convert_element_type3A_37 = arith.truncf %convert_element_type3A_36 : vector<16x2048xf32> to vector<16x2048xbf16>
    %iota3A_38 = tpu.iota {dimensions = array<i32: 0>} : vector<2048x2048xi32>
    %iota3A_39 = tpu.iota {dimensions = array<i32: 1>} : vector<2048x2048xi32>
    %le3A = arith.cmpi sle, %iota3A_38, %iota3A_39 : vector<2048x2048xi32>
    %convert_element_type3A_40 = arith.extui %le3A : vector<2048x2048xi1> to vector<2048x2048xi32>
    %convert_element_type3A_41 = arith.sitofp %convert_element_type3A_40 : vector<2048x2048xi32> to vector<2048x2048xf32>
    %convert_element_type3A_42 = arith.truncf %convert_element_type3A_41 : vector<2048x2048xf32> to vector<2048x2048xbf16>
    %dot_general3A_43 = arith.constant dense<0.000000e+00> : vector<16x2048xf32>
    %dot_general3A_44 = tpu.matmul %convert_element_type3A_37, %convert_element_type3A_42, %dot_general3A_43 {dimension_numbers = #tpu.dot_dimension_numbers<[1], [0], [0], [1], [0, 0, 1, 1], [], []>, transpose_lhs_hint = false} : vector<16x2048xbf16>, vector<2048x2048xbf16>, vector<16x2048xf32> -> vector<16x2048xf32>
    %jit3A_45 = arith.constant 0.000000e+00 : f32
    %broadcast_in_dim3A_46 = vector.broadcast %jit3A_45 : f32 to vector<16x2048xf32>
    %select_n3A_47 = arith.select %eq3A_34, %dot_general3A_44, %broadcast_in_dim3A_46 : vector<16x2048xi1>, vector<16x2048xf32>
    %reduce_sum3A_48 = arith.constant dense<0.000000e+00> : vector<2048xf32>
    %reduce_sum3A_49 = vector.multi_reduction <add>, %select_n3A_47, %reduce_sum3A_48 [0] : vector<16x2048xf32> to vector<2048xf32>
    %broadcast_in_dim3A_50 = vector.shape_cast %reduce_sum3A_49 : vector<2048xf32> to vector<1x2048xf32>
    %sub3A = arith.constant 1.000000e+00 : f32
    %sub3A_51 = vector.broadcast %sub3A : f32 to vector<1x2048xf32>
    %sub3A_52 = arith.subf %broadcast_in_dim3A_50, %sub3A_51 : vector<1x2048xf32>
    %slice3A = vector.extract_strided_slice %dot_general3A_44 {offsets = [0, 2047], sizes = [16, 1], strides = [1, 1]} : vector<16x2048xf32> to vector<16x1xf32>
    %convert_element_type3A_53 = arith.fptosi %slice3A : vector<16x1xf32> to vector<16x1xi32>
    %add3A_54 = arith.constant 255 : i32
    %add3A_55 = vector.broadcast %add3A_54 : i32 to vector<16x1xi32>
    %add3A_56 = arith.addi %convert_element_type3A_53, %add3A_55 : vector<16x1xi32>
    %shift_right_logical3A = arith.constant 8 : i32
    %shift_right_logical3A_57 = vector.broadcast %shift_right_logical3A : i32 to vector<16x1xi32>
    %shift_right_logical3A_58 = arith.shrui %add3A_56, %shift_right_logical3A_57 : vector<16x1xi32>
    %iota3A_59 = tpu.iota {dimensions = array<i32: 0>} : vector<16x16xi32>
    %iota3A_60 = tpu.iota {dimensions = array<i32: 1>} : vector<16x16xi32>
    %ge3A = arith.cmpi sge, %iota3A_59, %iota3A_60 : vector<16x16xi32>
    %convert_element_type3A_61 = arith.extui %ge3A : vector<16x16xi1> to vector<16x16xi32>
    %convert_element_type3A_62 = arith.sitofp %convert_element_type3A_61 : vector<16x16xi32> to vector<16x16xf32>
    %convert_element_type3A_63 = arith.truncf %convert_element_type3A_62 : vector<16x16xf32> to vector<16x16xbf16>
    %convert_element_type3A_64 = arith.sitofp %shift_right_logical3A_58 : vector<16x1xi32> to vector<16x1xbf16>
    %dot_general3A_65 = arith.constant dense<0.000000e+00> : vector<16x1xf32>
    %dot_general3A_66 = tpu.matmul %convert_element_type3A_63, %convert_element_type3A_64, %dot_general3A_65 {dimension_numbers = #tpu.dot_dimension_numbers<[1], [0], [0], [1], [0, 0, 1, 1], [], []>, transpose_lhs_hint = false} : vector<16x16xbf16>, vector<16x1xbf16>, vector<16x1xf32> -> vector<16x1xf32>
    %convert_element_type3A_67 = arith.fptosi %dot_general3A_66 : vector<16x1xf32> to vector<16x1xi32>
    %convert_element_type3A_68 = arith.sitofp %shift_right_logical3A_58 : vector<16x1xi32> to vector<16x1xf32>
    %sub3A_69 = arith.subf %dot_general3A_66, %convert_element_type3A_68 : vector<16x1xf32>
    %mul3A = arith.constant 2.560000e+02 : f32
    %mul3A_70 = vector.broadcast %mul3A : f32 to vector<16x1xf32>
    %mul3A_71 = arith.mulf %sub3A_69, %mul3A_70 : vector<16x1xf32>
    %jit3A_72 = arith.constant 0.000000e+00 : f32
    %broadcast_in_dim3A_73 = vector.shape_cast %mul3A_71 : vector<16x1xf32> to vector<16x1xf32>
    %broadcast_in_dim3A_74 = vector.broadcast %broadcast_in_dim3A_73 : vector<16x1xf32> to vector<16x2048xf32>
    %broadcast_in_dim3A_75 = vector.broadcast %jit3A_72 : f32 to vector<16x2048xf32>
    %select_n3A_76 = arith.select %eq3A_34, %broadcast_in_dim3A_74, %broadcast_in_dim3A_75 : vector<16x2048xi1>, vector<16x2048xf32>
    %reduce_sum3A_77 = arith.constant dense<0.000000e+00> : vector<2048xf32>
    %reduce_sum3A_78 = vector.multi_reduction <add>, %select_n3A_76, %reduce_sum3A_77 [0] : vector<16x2048xf32> to vector<2048xf32>
    %broadcast_in_dim3A_79 = vector.shape_cast %reduce_sum3A_78 : vector<2048xf32> to vector<1x2048xf32>
    %add3A_80 = arith.addf %broadcast_in_dim3A_79, %sub3A_52 : vector<1x2048xf32>
    %convert_element_type3A_81 = arith.fptosi %add3A_80 : vector<1x2048xf32> to vector<1x2048xi32>
    %swap3A_82 = arith.constant 0 : index
    %swap3A_83 = arith.constant 0 : index
    %swap3A_84 = vector.load %arg4[%swap3A_82, %swap3A_83] : memref<1x2048xi32, #tpu.memory_space<vmem>>, vector<1x2048xi32>
    tpu.vector_store %arg4[%swap3A_82, %swap3A_83], %convert_element_type3A_81 {strides = array<i32>} : memref<1x2048xi32, #tpu.memory_space<vmem>>, vector<1x2048xi32>,
    %slice3A_85 = vector.extract_strided_slice %convert_element_type3A_67 {offsets = [15, 0], sizes = [1, 1], strides = [1, 1]} : vector<16x1xi32> to vector<1x1xi32>
    %swap3A_86 = arith.constant 0 : index
    %swap3A_87 = arith.constant 0 : index
    %swap3A_88 = vector.load %arg6[%swap3A_86, %swap3A_87] : memref<1x1xi32, #tpu.memory_space<vmem>>, vector<1x1xi32>
    tpu.vector_store %arg6[%swap3A_86, %swap3A_87], %slice3A_85 {strides = array<i32>} : memref<1x1xi32, #tpu.memory_space<vmem>>, vector<1x1xi32>,
    %iota3A_89 = tpu.iota {dimensions = array<i32: 1>} : vector<16x24xi32>
    %le3A_90 = vector.broadcast %convert_element_type3A_67 : vector<16x1xi32> to vector<16x24xi32>
    %le3A_91 = arith.cmpi sle, %le3A_90, %iota3A_89 : vector<16x24xi32>
    %convert_element_type3A_92 = arith.extui %le3A_91 : vector<16x24xi1> to vector<16x24xi32>
    %reduce_sum3A_93 = arith.constant dense<0> : vector<24xi32>
    %reduce_sum3A_94 = vector.multi_reduction <add>, %convert_element_type3A_92, %reduce_sum3A_93 [0] : vector<16x24xi32> to vector<24xi32>
    %broadcast_in_dim3A_95 = vector.shape_cast %reduce_sum3A_94 : vector<24xi32> to vector<1x24xi32>
    %sub3A_96 = arith.constant 1 : i32
    %sub3A_97 = vector.broadcast %sub3A_96 : i32 to vector<1x1xi32>
    %sub3A_98 = arith.subi %slice3A_85, %sub3A_97 : vector<1x1xi32>
    %le3A_99 = vector.broadcast %sub3A_98 : vector<1x1xi32> to vector<16x1xi32>
    %le3A_100 = arith.cmpi sle, %convert_element_type3A_67, %le3A_99 : vector<16x1xi32>
    %convert_element_type3A_101 = arith.extui %le3A_100 : vector<16x1xi1> to vector<16x1xi32>
    %reduce_sum3A_102 = arith.constant dense<0> : vector<1xi32>
    %reduce_sum3A_103 = vector.multi_reduction <add>, %convert_element_type3A_101, %reduce_sum3A_102 [0] : vector<16x1xi32> to vector<1xi32>
    %broadcast_in_dim3A_104 = vector.shape_cast %reduce_sum3A_103 : vector<1xi32> to vector<1x1xi32>
    %slice3A_105 = vector.extract_strided_slice %iota3A_89 {offsets = [0, 0], sizes = [1, 24], strides = [1, 1]} : vector<16x24xi32> to vector<1x24xi32>
    %lt3A = vector.broadcast %slice3A_85 : vector<1x1xi32> to vector<1x24xi32>
    %lt3A_106 = arith.cmpi slt, %slice3A_105, %lt3A : vector<1x24xi32>
    %broadcast_in_dim3A_107 = vector.shape_cast %broadcast_in_dim3A_104 : vector<1x1xi32> to vector<1x1xi32>
    %broadcast_in_dim3A_108 = vector.broadcast %broadcast_in_dim3A_107 : vector<1x1xi32> to vector<1x24xi32>
    %select_n3A_109 = arith.select %lt3A_106, %broadcast_in_dim3A_95, %broadcast_in_dim3A_108 : vector<1x24xi1>, vector<1x24xi32>
    %swap3A_110 = arith.constant 0 : index
    %swap3A_111 = arith.constant 0 : index
    %swap3A_112 = vector.load %arg5[%swap3A_110, %swap3A_111] : memref<1x24xi32, #tpu.memory_space<vmem>>, vector<1x24xi32>
    tpu.vector_store %arg5[%swap3A_110, %swap3A_111], %select_n3A_109 {strides = array<i32>} : memref<1x24xi32, #tpu.memory_space<vmem>>, vector<1x24xi32>,
    return
  }
}

</mosaic_0001>

<sc_bundles>
// kernel: kernel.5.cloned.1.call-start
scs
__scs_entry_jumppad:
0x0: {  	(pc) =	sbr.rel $0x88, $3  }
0x1: {  	(tag) =	ssettag $0x0;
	lr =	simm.s32 $0x1  }
0x2: {  	[smem:$0x3F9A] =	sst lr;
	_ =	strace $0xD0000000  }
0x3: {  	_ = 	snop  }
0x4: {  	_ = 	snop  }
0x5: {  	_ = 	snop  }
0x6: {  	_ = 	snop  }
0x7: {  	_ = 	snop  }
__scs_overlays_trampoline_lowered:
0x8: {  	[smem:$0x3FA9] =	sst s0  }
0x9: {  	[smem:$0x3FAA] =	sst s1  }
0xa: {  	[smem:$0x3FAB] =	sst s2  }
0xb: {  	[smem:$0x3FAC] =	sst s3  }
0xc: {  	[smem:$0x3FAD] =	sst s4  }
0xd: {  	[smem:$0x3FAE] =	sst s5  }
0xe: {  	[smem:$0x3FAF] =	sst s6  }
0xf: {  	[smem:$0x3FB0] =	sst s7  }
0x10: {  	[smem:$0x3FB1] =	sst s8  }
0x11: {  	[smem:$0x3FB2] =	sst s9;
	s0 =	simm.s32 @!p0 $0x0  }
0x12: {  	s1 =	sld [smem:$0x3F98];
	s0 =	simm.s32 @p0 $0x1  }
0x13: {  	[smem:$0x3FB3] =	sst s0;
	s0 =	simm.s32 @!p1 $0x0  }
0x14: {  	s2 =	sld [smem:$0x3F97];
	s0 =	simm.s32 @p1 $0x1  }
0x15: {  	[smem:$0x3FB4] =	sst s0;
	s0 =	simm.s32 @!p2 $0x0  }
0x16: {  	s3 =	sld [smem:$0x3FDB];
	s0 =	simm.s32 @p2 $0x1  }
0x17: {  	s4 =	simm.s32 $0x1BF5;
	[smem:$0x3FB6] =	sst s0  }
0x18: {  	s0 =	sld [smem:$0x3F99];
	_ =	swait.ge [sflag:s4], $0x0  }
0x19: {  	s7 =	sld [smem:$0x3F9A]  }
0x1a: {  	s8 =	sadd.s32 $0xFFFFE003, lr  }
0x1b: {  	s9 =	sadd.s32 $0xFFFFFEF7, lr;
	s5 =	simm.s32 $0xFFFFFFFF;
	p2 =	slt.u32 s8, $0xFFFFF086  }
0x1c: {  	p1 =	slt.u32 s9, $0xF7A;
	s5 =	simm.s32 @!p2 $0x0  }
0x1d: {  	s5 =	simm.s32 @p1 $0x1;
	p0 =	seq.s32 s7, s2  }
0x1e: {  	s7 =	smul.u32 @!p0 $0xF7A, s2;
	p2 =	seq.s32 @!p0 s5, $0x0  }
0x1f: {  	s9 =	smul.u32 $0xF7A, s1;
	s8 =	simm.s32 @!p0 $0x1BF5;
	p2 =	por !p2, p0  }
0x20: {  	[sflag:s8] =	ssyncset.s32 @!p0 $0xFFFFF086;
	s6 =	sadd.s32 @!p0 s3, s7;
	s7 =	simm.s32 @!p0 $0x108  }
0x21: {  	s3 =	sadd.s32 s3, s9;
	s6 =	sadd.s32 @!p0 $0x88, s6;
	s7 =	simm.s32 @p2 $0x1082  }
0x22: {  	[simem:s7], [sflag:s8] =	dma.local @!p0 [hbm:s6], $0xF7A  }
0x23: {  	s9 =	sor.u32 $0xD0000000, s2;
	s6 =	simm.s32 $0x108;
	_ =	swait.ge @!p0 [sflag:s8], $0x0  }
0x24: {  	s3 =	sadd.s32 $0x88, s3;
	s6 =	simm.s32 @!p1 $0x1082;
	[sflag:s4] =	ssyncset.s32 $0xFFFFF086  }
0x25: {  	[simem:s6], [sflag:s4] =	dma.local [hbm:s3], $0xF7A  }
0x26: {  	[smem:$0x3F9A] =	sst s1;
	(tag) =	ssettag s2;
	_ =	strace s9  }
0x27: {  	s1 =	sld [smem:$0x3FAA]  }
0x28: {  	s2 =	sld [smem:$0x3FAB]  }
0x29: {  	s4 =	sld [smem:$0x3FAD]  }
0x2a: {  	p0 =	seq.s32 s5, $0x0;
	s5 =	sld [smem:$0x3FAE]  }
0x2b: {  	s6 =	sld [smem:$0x3FAF]  }
0x2c: {  	s7 =	sld [smem:$0x3FB0]  }
0x2d: {  	s3 =	simm.s32 $0x108;
	s8 =	sld [smem:$0x3FB1]  }
0x2e: {  	s3 =	simm.s32 @!p0 $0x1082;
	s9 =	sld [smem:$0x3FB2]  }
0x2f: {  	lr =	sadd.s32 s0, s3;
	s0 =	sld [smem:$0x3FA9]  }
0x30: {  	s3 =	sld [smem:$0x3FAC]  }
0x31: {  	[smem:$0x3FB5] =	sst s10  }
0x32: {  	s10 =	sld [smem:$0x3FB3];
	_ =	sdelay $0x3  }
0x33: {  	p0 =	seq.s32 s10, $0x1;
	s10 =	sld [smem:$0x3FB5];
	_ =	sdelay $0x3  }
0x34: {  	[smem:$0x3FB5] =	sst s10  }
0x35: {  	s10 =	sld [smem:$0x3FB4];
	_ =	sdelay $0x3  }
0x36: {  	p1 =	seq.s32 s10, $0x1;
	s10 =	sld [smem:$0x3FB5];
	_ =	sdelay $0x3  }
0x37: {  	[smem:$0x3FB5] =	sst s10  }
0x38: {  	s10 =	sld [smem:$0x3FB6]  }
0x39: {  	_ = 	snop;
	(pc) =	sbr.ind lr, $3  }
0x3a: {  	_ = 	snop  }
0x3b: {  	_ = 	snop  }
0x3c: {  	p2 =	seq.s32 s10, $0x1;
	s10 =	sld [smem:$0x3FB5]  }
0x3d: {  	_ =	shalt  }
0x3e: {  	_ =	shalt  }
0x3f: {  	_ =	shalt  }
0x40: {  	_ =	shalt  }
0x41: {  	_ =	shalt  }
0x42: {  	_ =	shalt  }
0x43: {  	_ =	shalt  }
0x44: {  	_ =	shalt  }
0x45: {  	_ =	shalt  }
0x46: {  	_ =	shalt  }
0x47: {  	_ =	shalt  }
0x48: {  	_ =	shalt  }
0x49: {  	_ =	shalt  }
0x4a: {  	_ =	shalt  }
0x4b: {  	_ =	shalt  }
0x4c: {  	_ =	shalt  }
0x4d: {  	_ =	shalt  }
0x4e: {  	_ =	shalt  }
0x4f: {  	_ =	shalt  }
0x50: {  	_ =	shalt  }
0x51: {  	_ =	shalt  }
0x52: {  	_ =	shalt  }
0x53: {  	_ =	shalt  }
0x54: {  	_ =	shalt  }
0x55: {  	_ =	shalt  }
0x56: {  	_ =	shalt  }
0x57: {  	_ =	shalt  }
0x58: {  	_ =	shalt  }
0x59: {  	_ =	shalt  }
0x5a: {  	_ =	shalt  }
0x5b: {  	_ =	shalt  }
0x5c: {  	_ =	shalt  }
0x5d: {  	_ =	shalt  }
0x5e: {  	_ =	shalt  }
0x5f: {  	_ =	shalt  }
0x60: {  	_ =	shalt  }
0x61: {  	_ =	shalt  }
0x62: {  	_ =	shalt  }
0x63: {  	_ =	shalt  }
0x64: {  	_ =	shalt  }
0x65: {  	_ =	shalt  }
0x66: {  	_ =	shalt  }
0x67: {  	_ =	shalt  }
0x68: {  	_ =	shalt  }
0x69: {  	_ =	shalt  }
0x6a: {  	_ =	shalt  }
0x6b: {  	_ =	shalt  }
0x6c: {  	_ =	shalt  }
0x6d: {  	_ =	shalt  }
0x6e: {  	_ =	shalt  }
0x6f: {  	_ =	shalt  }
0x70: {  	_ =	shalt  }
0x71: {  	_ =	shalt  }
0x72: {  	_ =	shalt  }
0x73: {  	_ =	shalt  }
0x74: {  	_ =	shalt  }
0x75: {  	_ =	shalt  }
0x76: {  	_ =	shalt  }
0x77: {  	_ =	shalt  }
0x78: {  	_ =	shalt  }
0x79: {  	_ =	shalt  }
0x7a: {  	_ =	shalt  }
0x7b: {  	_ =	shalt  }
0x7c: {  	_ =	shalt  }
0x7d: {  	_ =	shalt  }
0x7e: {  	_ =	shalt  }
0x7f: {  	_ =	shalt  }
0x80: {  	_ =	shalt  }
0x81: {  	_ =	shalt  }
0x82: {  	_ =	shalt  }
0x83: {  	_ =	shalt  }
0x84: {  	_ =	shalt  }
0x85: {  	_ =	shalt  }
0x86: {  	_ =	shalt  }
0x87: {  	_ =	shalt  }
.Lfunc_end0:
.L_simem_size_0:
called_computation_lowered:
.L_overlay_start_0:
0x88: {  	s2 =	sld [smem:$0x3FD9]  }
0x89: {  	s3 =	sld [smem:$0x3FFE];
	_ =	sdelay $0x1  }
0x8a: {  	s1 =	srdreg.scid  }
0x8b: {  	s0 =	sand.u32 $0x1, s1  }
0x8c: {  	s14 =	sshll.u32 s0, $0xA;
	s2 =	sadd.s32 s3, s2  }
0x8d: {  	s2 =	sadd.s32 s2, s14  }
0x8e: {  	[smem:$0x3FC1] =	sst s2  }
0x8f: {  	_ = 	snop  }
0x90: {  	s2 =	sld [smem:$0x3FD0];
	_ =	sdelay $0x2  }
0x91: {  	s15 =	simm.s32 $0xA;
	s4 =	simm.s32 $0x10  }
0x92: {  	[smem:s4], [sflag:s15] =	dma.local [hbm:s2], $0x1  }
0x93: {  	_ =	swait.eq [sflag:s15], $0x1  }
0x94: {  	[sflag:s15] =	ssyncset.done $0x0  }
0x95: {  	[sflag:s15] =	ssyncadd.s32 $0xFFFFFFFF  }
0x96: {  	s16 =	sld [smem:$0x10];
	(tm) =	ssettm $0x1  }
0x97: {  	s17 =	sld [smem:$0x3FFB];
	_ =	sdelay $0x3  }
0x98: {  	_ =	strace s17  }
0x99: {  	s3 =	sld [smem:$0x3FFC];
	_ =	sdelay $0x3  }
0x9a: {  	_ =	strace s3  }
0x9b: {  	s3 =	sld [smem:$0x3FFD];
	_ =	sdelay $0x3  }
0x9c: {  	_ =	strace s3  }
0x9d: {  	_ =	strace $0x8FFFFFFF  }
0x9e: {  	s18 =	sld [smem:$0x3FDB];
	_ =	sdelay $0x1  }
0x9f: {  	s19 =	simm.s32 $_scs_section_size  }
0xa0: {  	s5 =	simm.s32 $_size__tile_overlayer_lowered;
	s6 =	simm.s32 $_tile_overlayer_lowered  }
0xa1: {  	s22 =	simm.s32 $0x1BFF;
	s21 =	sshll.u32 s6, $0x1;
	s3 =	sadd.s32 s19, s18  }
0xa2: {  	s7 =	simm.s32 $0x0;
	s20 =	sshll.u32 s5, $0x1;
	s5 =	sadd.s32 s21, s3  }
0xa3: {  	[timem:s7], [sflag:s22] =	dma.local [hbm:s5], s20  }
0xa4: {  	_ =	swait.ge [sflag:s22], s20  }
0xa5: {  	s4 =	ssub.s32 $0x0, s20;
	[sflag:s22] =	ssyncset.done $0x0  }
0xa6: {  	[sflag:s22] =	ssyncadd.s32 s4;
	_ =	sdelay $0x1  }
0xa7: {  	s23 =	simm.s32 $0x1B8B  }
0xa8: {  	_ =	swait.ge [sflag:s23], $0x1  }
0xa9: {  	[sflag:s23] =	ssyncset.done $0x0  }
0xaa: {  	s25 =	simm.s32 $0x1B8E;
	s24 =	sld [smem:$0x3FFE];
	[sflag:s23] =	ssyncadd.s32 $0xFFFFFFFF  }
0xab: {  	s26 =	simm.s32 $execute0_lowered;
	[smem:$0x3FD2] =	sst s25  }
0xac: {  	s5 =	sshll.u32 s26, $0x1;
	_ =	strace $0x80000046;
	[dreg:$0x1] =	wrdreg $0xFFFFFFFF  }
0xad: {  	s28 =	simm.s32 $_size_execute0_lowered;
	s3 =	sadd.s32 s3, s5;
	[dreg:$0x0] =	wrdreg $0x0  }
0xae: {  	s5 =	sshll.u32 s28, $0x1;
	[dreg:$0x2] =	wrdreg s3  }
0xaf: {  	[dreg:$0x3] =	wrdreg s5  }
0xb0: {  	[dreg:$0x4] =	wrdreg $0xC0  }
0xb1: {  	_ =	task [dreg:s7], $0x5FFFF  }
0xb2: {  	[dreg:$0x1] =	wrdreg $0xFFFFFFFF  }
0xb3: {  	[dreg:$0x0] =	wrdreg $0x60  }
0xb4: {  	[dreg:$0x2] =	wrdreg s24  }
0xb5: {  	[dreg:$0x3] =	wrdreg s16  }
0xb6: {  	[dreg:$0x4] =	wrdreg $0x9  }
0xb7: {  	_ =	task.clear_ibuf [dreg:s7], $0x5FFFF;
	_ =	strace $0x90000046  }
0xb8: {  	s29 =	simm.s32 $0x9;
	_ =	strace $0x80000048  }
0xb9: {  	_ =	swait.ge [sflag:s29], $0x1  }
0xba: {  	[sflag:s29] =	ssyncadd.s32 $0xFFFFFFFF  }
0xbb: {  	_ =	strace $0x90000048  }
0xbc: {  	_ =	sfence  }
0xbd: {  	s30 =	sld [smem:$0x0];
	_ =	sdelay $0x2  }
0xbe: {  	s31 =	sshll.u32 s1, $0xD;
	s1 =	sshrl.u32 s1, $0x2  }
0xbf: {  	s3 =	sand.u32 $0x4000, s31;
	s1 =	sadd.s32 s1, s30  }
0xc0: {  	s0 =	sor.u32 s3, s0;
	s1 =	sshll.u32 s1, $0x11  }
0xc1: {  	s0 =	sor.u32 s1, s0  }
0xc2: {  	s0 =	sadd.s32 $0x8F2B, s0  }
0xc3: {  	[sflag:s0] =	ssyncadd.remote.s32 $0x1  }
0xc4: {  	_ =	sfence.sel $0xFFFF  }
0xc5: {  	[dreg:$0x0] =	wrdreg $0xFFFFFFFF;
	(pc) =	sbr.abs _section_cstart, $3  }
0xc6: {  	[dreg:$0x1] =	wrdreg $0xFFFFFFFF  }
0xc7: {  	_ =	task.clear_ibuf [dreg:s7], $0x2FFFF;
	_ =	strace $0x9FFFFFFF  }
0xc8: {  	(tm) =	ssettm $0x7FFFFFFF  }
0xc9: {  	_ =	shalt  }
tec
execute0_lowered:
.L_overlay_start_1:
0x0: {  	(tag) =	ssettag $0x1  }
0x1: {  	s0 =	rddreg [dreg:$0x0]  }
0x2: {  	s5 =	rddreg [dreg:$0x1];
	s3 =	srdreg.scid  }
0x3: {  	s2 =	simm.s32 $0x0;
	s1 =	stileid.u32;
	s26 =	simm.s32 $0x880  }
0x4: {  	s10 =	simm.s32 $0x1880;
	s11 =	simm.s32 $0x2080;
	s12 =	simm.s32 $0x2880  }
0x5: {  	s13 =	simm.s32 $0x3080;
	s14 =	simm.s32 $0x3880;
	s15 =	simm.s32 $0x4080  }
0x6: {  	s16 =	simm.s32 $0x4880;
	s17 =	simm.s32 $0x5080;
	s18 =	simm.s32 $0x5880  }
0x7: {  	s19 =	simm.s32 $0x6080;
	s20 =	simm.s32 $0x6880;
	s21 =	simm.s32 $0x7080  }
0x8: {  	s22 =	simm.s32 $0x7880;
	s28 =	simm.s32 $0xA080;
	s29 =	simm.s32 $0xA880  }
0x9: {  	s30 =	simm.s32 $0xB080;
	s31 =	simm.s32 $0xB880;
	s3 =	sand.u32 $0x1, s3  }
0xa: {  	[smem:$0x7FF] =	sst s2;
	s4 =	sshll.u32 s1, $0x4;
	s6 =	sshll.u32 s3, $0x3  }
0xb: {  	_ =	strace $0x80000047;
	s23 =	ssub.s32 $0x2, s3;
	s3 =	sadd.s32 $0x1600, s0  }
0xc: {  	[dreg:$0x5] =	wrdreg s26;
	s26 =	simm.s32 $0x9880;
	s4 =	sor.u32 s6, s4  }
0xd: {  	s8 =	sshrl.u32 s23, $0x1;
	s7 =	sadd.s32 s4, s0;
	s9 =	smul.u32 $0x300, s4  }
0xe: {  	s6 =	ssub.s32 s23, s8;
	s4 =	sadd.s32 $0x1700, s0;
	s8 =	simm.s32 $0x80  }
0xf: {  	s23 =	simm.s32 $0x8080;
	s24 =	sadd.s32 $0x1400, s7;
	s6 =	smax.u32 s6, $0x1  }
0x10: {  	v2 =	vlaneseq.u32;
	s7 =	simm.s32 $0x2;
	[dreg:$0x3] =	wrdreg s24;
	s25 =	sadd.s32 s5, s9  }
0x11: {  	vm0 =	vmmov $0xffff;
	v1 =	vshrl.u32 v2, $0x3;
	s5 =	sadd.s32 $0x1800, s0;
	s9 =	simm.s32 $0x1080;
	s24 =	simm.s32 $0x8880  }
0x12: {  	v0 =	vand.u32 $0x7, v2;
	v2 =	vor.u32 $0x8, v2;
	v1 =	vmul.u32 $0x8, v1;
	s0 =	simm.s32 $0x1;
	[dreg:$0x4] =	wrdreg s25;
	s25 =	simm.s32 $0x9080  }
.LBB2_1:
0x13: {  	s1 =	rddreg [dreg:$0x3]  }
0x14: {  	[tilespmem:s2], [sflag:$0x2] =	stream.linear.gather [hbm4b:s1+s2], $0x40, $0x38;
	[tilespmem:$0xC080] =	vst v63  }
0x15: {  	_ =	swait.ge [sflag:s7], $0x40  }
0x16: {  	[sflag:s7] =	ssyncset.done $0x0  }
0x17: {  	[sflag:s7] =	ssyncadd.s32 $0xFFFFFFC0  }
0x18: {  	v3 =	vld [tilespmem:$0x0];
	_ =	sdelay $0x4  }
0x19: {  	v4 =	vshrl.u32 v3, $0x3  }
0x1a: {  	v4 =	vmul.u32 $0x30, v4  }
0x1b: {  	v3 =	vand.u32 $0x7, v3  }
0x1c: {  	v3 =	vor.u32 v3, v4  }
0x1d: {  	v4 =	vperm.xlane v3, v0;
	_ =	sdelay $0x1  }
0x1e: {  	v4 =	vadd.s32 v1, v4;
	_ =	sdelay $0x3  }
0x1f: {  	v3 =	vperm.xlane v3, v2  }
0x20: {  	[tilespmem:s8], [sflag:$0x1] =	stream.indirect_vreg.gather [hbm4b:s3+s2], $0x80, v4, vm0, $0xb8;
	[tilespmem:$0xC080] =	vst v63  }
0x21: {  	s1 =	rddreg [dreg:$0x5];
	v3 =	vadd.s32 v1, v3  }
0x22: {  	[tilespmem:s1], [sflag:$0x1] =	stream.indirect_vreg.gather [hbm4b:s4+s2], $0x80, v4, vm0, $0xb8;
	[tilespmem:$0xC080] =	vst v63  }
0x23: {  	_ = 	snop  }
0x24: {  	[tilespmem:s9], [sflag:$0x1] =	stream.indirect_vreg.gather [hbm4b:s5+s2], $0x80, v4, vm0, $0xb8;
	[tilespmem:$0xC080] =	vst v63  }
0x25: {  	_ = 	snop  }
0x26: {  	[tilespmem:s10], [sflag:$0x1] =	stream.indirect_vreg.gather [hbm4b:s3+s2], $0x80, v3, vm0, $0xb8;
	[tilespmem:$0xC080] =	vst v63  }
0x27: {  	_ = 	snop  }
0x28: {  	[tilespmem:s11], [sflag:$0x1] =	stream.indirect_vreg.gather [hbm4b:s4+s2], $0x80, v3, vm0, $0xb8;
	[tilespmem:$0xC080] =	vst v63  }
0x29: {  	_ = 	snop  }
0x2a: {  	[tilespmem:s12], [sflag:$0x1] =	stream.indirect_vreg.gather [hbm4b:s5+s2], $0x80, v3, vm0, $0xb8;
	[tilespmem:$0xC080] =	vst v63  }
0x2b: {  	v3 =	vld [tilespmem:$0x10];
	_ =	sdelay $0x4  }
0x2c: {  	v61 =	vshrl.u32 v3, $0x3  }
0x2d: {  	v4 =	vmul.u32 $0x30, v61  }
0x2e: {  	v3 =	vand.u32 $0x7, v3  }
0x2f: {  	v3 =	vor.u32 v3, v4  }
0x30: {  	v4 =	vperm.xlane v3, v0;
	_ =	sdelay $0x1  }
0x31: {  	v4 =	vadd.s32 v1, v4;
	_ =	sdelay $0x3  }
0x32: {  	v3 =	vperm.xlane v3, v2  }
0x33: {  	[tilespmem:s13], [sflag:$0x1] =	stream.indirect_vreg.gather [hbm4b:s3+s2], $0x80, v4, vm0, $0xb8;
	[tilespmem:$0xC080] =	vst v63  }
0x34: {  	v3 =	vadd.s32 v1, v3  }
0x35: {  	[tilespmem:s14], [sflag:$0x1] =	stream.indirect_vreg.gather [hbm4b:s4+s2], $0x80, v4, vm0, $0xb8;
	[tilespmem:$0xC080] =	vst v63  }
0x36: {  	_ = 	snop  }
0x37: {  	[tilespmem:s15], [sflag:$0x1] =	stream.indirect_vreg.gather [hbm4b:s5+s2], $0x80, v4, vm0, $0xb8;
	[tilespmem:$0xC080] =	vst v63  }
0x38: {  	_ = 	snop  }
0x39: {  	[tilespmem:s16], [sflag:$0x1] =	stream.indirect_vreg.gather [hbm4b:s3+s2], $0x80, v3, vm0, $0xb8;
	[tilespmem:$0xC080] =	vst v63  }
0x3a: {  	_ = 	snop  }
0x3b: {  	[tilespmem:s17], [sflag:$0x1] =	stream.indirect_vreg.gather [hbm4b:s4+s2], $0x80, v3, vm0, $0xb8;
	[tilespmem:$0xC080] =	vst v63  }
0x3c: {  	_ = 	snop  }
0x3d: {  	[tilespmem:s18], [sflag:$0x1] =	stream.indirect_vreg.gather [hbm4b:s5+s2], $0x80, v3, vm0, $0xb8;
	[tilespmem:$0xC080] =	vst v63  }
0x3e: {  	v3 =	vld [tilespmem:$0x20];
	_ =	sdelay $0x4  }
0x3f: {  	v62 =	vshrl.u32 v3, $0x3  }
0x40: {  	v4 =	vmul.u32 $0x30, v62  }
0x41: {  	v3 =	vand.u32 $0x7, v3  }
0x42: {  	v3 =	vor.u32 v3, v4  }
0x43: {  	v4 =	vperm.xlane v3, v0;
	_ =	sdelay $0x1  }
0x44: {  	v4 =	vadd.s32 v1, v4;
	_ =	sdelay $0x3  }
0x45: {  	v3 =	vperm.xlane v3, v2  }
0x46: {  	[tilespmem:s19], [sflag:$0x1] =	stream.indirect_vreg.gather [hbm4b:s3+s2], $0x80, v4, vm0, $0xb8;
	[tilespmem:$0xC080] =	vst v63  }
0x47: {  	v3 =	vadd.s32 v1, v3  }
0x48: {  	[tilespmem:s20], [sflag:$0x1] =	stream.indirect_vreg.gather [hbm4b:s4+s2], $0x80, v4, vm0, $0xb8;
	[tilespmem:$0xC080] =	vst v63  }
0x49: {  	_ = 	snop  }
0x4a: {  	[tilespmem:s21], [sflag:$0x1] =	stream.indirect_vreg.gather [hbm4b:s5+s2], $0x80, v4, vm0, $0xb8;
	[tilespmem:$0xC080] =	vst v63  }
0x4b: {  	_ = 	snop  }
0x4c: {  	[tilespmem:s22], [sflag:$0x1] =	stream.indirect_vreg.gather [hbm4b:s3+s2], $0x80, v3, vm0, $0xb8;
	[tilespmem:$0xC080] =	vst v63  }
0x4d: {  	_ = 	snop  }
0x4e: {  	[tilespmem:s23], [sflag:$0x1] =	stream.indirect_vreg.gather [hbm4b:s4+s2], $0x80, v3, vm0, $0xb8;
	[tilespmem:$0xC080] =	vst v63  }
0x4f: {  	_ = 	snop  }
0x50: {  	[tilespmem:s24], [sflag:$0x1] =	stream.indirect_vreg.gather [hbm4b:s5+s2], $0x80, v3, vm0, $0xb8;
	[tilespmem:$0xC080] =	vst v63  }
0x51: {  	v3 =	vld [tilespmem:$0x30];
	_ =	sdelay $0x4  }
0x52: {  	v63 =	vshrl.u32 v3, $0x3  }
0x53: {  	v4 =	vmul.u32 $0x30, v63  }
0x54: {  	v3 =	vand.u32 $0x7, v3  }
0x55: {  	v3 =	vor.u32 v3, v4  }
0x56: {  	v4 =	vperm.xlane v3, v0;
	_ =	sdelay $0x1  }
0x57: {  	v4 =	vadd.s32 v1, v4;
	_ =	sdelay $0x3  }
0x58: {  	v3 =	vperm.xlane v3, v2  }
0x59: {  	[tilespmem:s25], [sflag:$0x1] =	stream.indirect_vreg.gather [hbm4b:s3+s2], $0x80, v4, vm0, $0xb8;
	[tilespmem:$0xC080] =	vst v63  }
0x5a: {  	v3 =	vadd.s32 v1, v3  }
0x5b: {  	[tilespmem:s26], [sflag:$0x1] =	stream.indirect_vreg.gather [hbm4b:s4+s2], $0x80, v4, vm0, $0xb8;
	[tilespmem:$0xC080] =	vst v63  }
0x5c: {  	_ = 	snop  }
0x5d: {  	[tilespmem:s28], [sflag:$0x1] =	stream.indirect_vreg.gather [hbm4b:s5+s2], $0x80, v4, vm0, $0xb8;
	[tilespmem:$0xC080] =	vst v63  }
0x5e: {  	_ = 	snop  }
0x5f: {  	[tilespmem:s29], [sflag:$0x1] =	stream.indirect_vreg.gather [hbm4b:s3+s2], $0x80, v3, vm0, $0xb8;
	[tilespmem:$0xC080] =	vst v63  }
0x60: {  	_ = 	snop  }
0x61: {  	[tilespmem:s30], [sflag:$0x1] =	stream.indirect_vreg.gather [hbm4b:s4+s2], $0x80, v3, vm0, $0xb8;
	[tilespmem:$0xC080] =	vst v63  }
0x62: {  	_ = 	snop  }
0x63: {  	[tilespmem:s31], [sflag:$0x1] =	stream.indirect_vreg.gather [hbm4b:s5+s2], $0x80, v3, vm0, $0xb8;
	[tilespmem:$0xC080] =	vst v63  }
0x64: {  	_ =	swait.ge [sflag:s0], $0xC000  }
0x65: {  	p0 =	sne.s32 s6, $0x1;
	[sflag:s0] =	ssyncset.done $0x0  }
.Ltmp0:
0x66: {  	s1 =	rddreg [dreg:$0x4];
	[sflag:s0] =	ssyncadd.s32 $0xFFFF4000;
	(pc) =	sbr.rel @p0 .LBB2_1-.Ltmp0, $4  }
0x67: {  	[hbm4b:s1+s2] =	stream.linear.scatter [tilespmem:s8], [sflag:$0x2], $0xC000, $0x38;
	[tilespmem:$0xC080] =	vst v63  }
0x68: {  	_ =	swait.ge [sflag:s7], $0xC000  }
0x69: {  	[sflag:s7] =	ssyncset.done $0x0  }
0x6a: {  	s6 =	sadd.s32 $0xFFFFFFFF, s6;
	[sflag:s7] =	ssyncadd.s32 $0xFFFF4000  }
0x6b: {  	_ =	sfence.sel $0x180000  }
0x6c: {  	[bflag:$0x0] =	sbarrier.arrive $0xFFFF  }
0x6d: {  	_ =	strace $0x90000047  }
0x6e: {  	s0 =	stileid.u32;
	[bflag:$0x2] =	sbarrier.arrive $0xFFFF  }
0x6f: {  	p0 =	sne.s32 s0, $0x0;
	s0 =	rddreg [dreg:$0x2]  }
0x70: {  	s0 =	sadd.s32 @!p0 $0x100000, s0  }
0x71: {  	[sflag:s0] =	ssyncadd.tile.s32 @!p0 $0x1;
	_ =	shalt  }
.Lfunc_end2:
_tile_overlayer_lowered:
.L_overlay_start_2:
0x72: {  	(tag) =	ssettag $0x2  }
0x73: {  	s0 =	rddreg [dreg:$0x0];
	s2 =	stileid.u32  }
0x74: {  	s1 =	rddreg [dreg:$0x1];
	p0 =	sne.s32 s2, $0x0  }
0x75: {  	s3 =	rddreg [dreg:$0x2];
	[bflag:$0x3] =	sbarrier.arrive $0xFFFF;
	s2 =	simm.s32 @!p0 $0x1C02  }
0x76: {  	[timem:s3], [sflag:s2] =	dma.local @!p0 [hbm:s0], s1  }
0x77: {  	s0 =	simm.s32 @!p0 $0x2  }
0x78: {  	_ =	swait.ge @!p0 [sflag:s0], s1  }
0x79: {  	s1 =	ssub.s32 @!p0 $0x0, s1;
	[sflag:s0] =	ssyncset.done @!p0 $0x0  }
0x7a: {  	[sflag:s0] =	ssyncadd.s32 @!p0 s1  }
0x7b: {  	[bflag:$0x3] =	sbarrier.arrive $0xFFFF  }
0x7c: {  	_ =	shalt  }

</sc_bundles>
